<compile_context>
chip_gen: v7x
topology: tpu7x:2x2x1
jax: 0.10.2.dev20260603
libtpu: 0.0.44.dev20260713+nightly
codegen_flags: <defaults>
</compile_context>

<pallas_src>
import functools

import jax
import jax.numpy as jnp
from jax import lax
from jax.experimental import pallas as pl
from jax.experimental.pallas import tpu as pltpu
from jax.experimental.pallas import tpu_sc as plsc

_VOCAB = 32000
_D = 1024
_E = 8
_TOP_K = 2
_FF = 4096
_INHIB = 0.1



def _sc_gather(table, ids):
    S = ids.shape[0]
    D = table.shape[1]
    info = plsc.get_sparse_core_info()
    NC, NS = info.num_cores, info.num_subcores
    NW = NC * NS
    b_per_w = S // NW
    mesh = plsc.VectorSubcoreMesh(core_axis_name="c", subcore_axis_name="s")

    @functools.partial(
        pl.kernel,
        out_type=jax.ShapeDtypeStruct((S, D), jnp.float32),
        mesh=mesh,
        scratch_types=[
            pltpu.VMEM((b_per_w,), jnp.int32),
            pltpu.VMEM((b_per_w, D), jnp.float32),
            pltpu.SemaphoreType.DMA,
        ],
    )
    def k(table_hbm, idx_hbm, out_hbm, idx_v, rows_v, sem):
        wid = lax.axis_index("s") * NC + lax.axis_index("c")
        base = wid * b_per_w
        pltpu.sync_copy(idx_hbm.at[pl.ds(base, b_per_w)], idx_v)
        pltpu.async_copy(table_hbm.at[idx_v], rows_v, sem).wait()
        pltpu.sync_copy(rows_v, out_hbm.at[pl.ds(base, b_per_w)])

    return k(table, ids)




def _router_body(tok_ref, pos_ref, wr_ref, we_ref, hid_ref, eids_ref, rw_ref,
                 acc_ref, *, nsteps, S):
    i = pl.program_id(0)
    h = tok_ref[...] + pos_ref[...]
    hid_ref[...] = h.astype(jnp.bfloat16)
    part = jnp.sum(h, axis=0, keepdims=True)

    @pl.when(i == 0)
    def _():
        acc_ref[...] = jnp.zeros_like(acc_ref)

    acc_ref[...] += part

    @pl.when(i == nsteps - 1)
    def _():
        mean = acc_ref[...] / jnp.float32(S)
        feat = jnp.tanh(
            jnp.dot(mean, wr_ref[...], preferred_element_type=jnp.float32,
                    precision=jax.lax.Precision.HIGHEST))
        scores = jnp.dot(feat, we_ref[...], preferred_element_type=jnp.float32,
                         precision=jax.lax.Precision.HIGHEST)
        tot = jnp.sum(scores)
        s2 = scores - _INHIB * (tot - scores) / (_E - 1)
        iota = lax.broadcasted_iota(jnp.int32, (1, _E), 1)
        m1 = jnp.max(s2)
        i1 = jnp.min(jnp.where(s2 == m1, iota, _E))
        masked = jnp.where(iota == i1, -jnp.inf, s2)
        m2 = jnp.max(masked)
        i2 = jnp.min(jnp.where(masked == m2, iota, _E))
        z = jnp.exp(m2 - m1)
        w1 = 1.0 / (1.0 + z)
        eids_ref[0] = i1
        eids_ref[1] = i2
        rw_ref[0] = w1
        rw_ref[1] = z * w1


def _router(tok, pos, W_r, W_e):
    S, D = tok.shape
    R = W_r.shape[1]
    blk = 1024
    nsteps = S // blk
    hidden, eids, rw = pl.pallas_call(
        functools.partial(_router_body, nsteps=nsteps, S=S),
        grid=(nsteps,),
        in_specs=[
            pl.BlockSpec((blk, D), lambda i: (i, 0)),
            pl.BlockSpec((blk, D), lambda i: (i, 0)),
            pl.BlockSpec((D, R), lambda i: (0, 0)),
            pl.BlockSpec((R, _E), lambda i: (0, 0)),
        ],
        out_specs=[
            pl.BlockSpec((blk, D), lambda i: (i, 0)),
            pl.BlockSpec(memory_space=pltpu.SMEM),
            pl.BlockSpec(memory_space=pltpu.SMEM),
        ],
        out_shape=[
            jax.ShapeDtypeStruct((S, D), jnp.bfloat16),
            jax.ShapeDtypeStruct((_TOP_K,), jnp.int32),
            jax.ShapeDtypeStruct((_TOP_K,), jnp.float32),
        ],
        scratch_shapes=[pltpu.VMEM((1, D), jnp.float32)],
    )(tok, pos, W_r, W_e)
    return hidden, eids, rw




def _ffn_body(ids_ref, rw_ref, hid_ref, w1_ref, w2_ref,
              out_ref, acc_ref, *, nk, nf):
    k = pl.program_id(0)
    f = pl.program_id(1)
    w = rw_ref[k]
    a = jnp.dot(hid_ref[...], w1_ref[0].astype(jnp.bfloat16),
                preferred_element_type=jnp.float32).astype(jnp.bfloat16)
    g = jax.nn.gelu(a)
    contrib = jnp.dot(g, (w * w2_ref[0]).astype(jnp.bfloat16),
                      preferred_element_type=jnp.float32)

    @pl.when((k == 0) & (f == 0))
    def _():
        acc_ref[...] = jnp.zeros_like(acc_ref)

    acc_ref[...] += contrib

    @pl.when((k == nk - 1) & (f == nf - 1))
    def _():
        out_ref[...] = acc_ref[...].astype(jnp.bfloat16)


def _ffn(eids, rw, hidden, W1, b1, W2, b2):
    S, D = hidden.shape
    FF = W1.shape[2]
    ffb = 2048
    nf = FF // ffb
    grid_spec = pltpu.PrefetchScalarGridSpec(
        num_scalar_prefetch=1,
        grid=(_TOP_K, nf),
        in_specs=[
            pl.BlockSpec(memory_space=pltpu.SMEM),
            pl.BlockSpec((S, D), lambda k, f, ids: (0, 0)),
            pl.BlockSpec((1, D, ffb), lambda k, f, ids: (ids[k], 0, f)),
            pl.BlockSpec((1, ffb, D), lambda k, f, ids: (ids[k], f, 0)),
        ],
        out_specs=pl.BlockSpec((S, D), lambda k, f, ids: (0, 0)),
        scratch_shapes=[pltpu.VMEM((S, D), jnp.float32)],
    )
    return pl.pallas_call(
        functools.partial(_ffn_body, nk=_TOP_K, nf=nf),
        grid_spec=grid_spec,
        out_shape=jax.ShapeDtypeStruct((S, D), jnp.bfloat16),
        compiler_params=pltpu.CompilerParams(
            vmem_limit_bytes=63 * 1024 * 1024),
    )(eids, rw, hidden, W1, W2)




def _head_body(c_ref, e_ref, o_ref):
    o_ref[...] = lax.dot_general(
        c_ref[...], e_ref[...].astype(jnp.bfloat16), (((1,), (1,)), ((), ())),
        preferred_element_type=jnp.float32)


def _head(combined, token_emb):
    S, D = combined.shape
    V = token_emb.shape[0]
    vb = 1280
    nv = V // vb
    return pl.pallas_call(
        _head_body,
        grid=(nv,),
        in_specs=[
            pl.BlockSpec((S, D), lambda v: (0, 0)),
            pl.BlockSpec((vb, D), lambda v: (v, 0)),
        ],
        out_specs=pl.BlockSpec((S, vb), lambda v: (0, v)),
        out_shape=jax.ShapeDtypeStruct((S, V), jnp.float32),
        compiler_params=pltpu.CompilerParams(
            vmem_limit_bytes=120 * 1024 * 1024),
    )(combined, token_emb)




def kernel(input_ids, token_emb, pos_emb, W_r, W_e, W1, b1, W2, b2):
    B, S = input_ids.shape
    ids = input_ids.reshape(B * S).astype(jnp.int32)
    tok = _sc_gather(token_emb, ids)
    hidden, eids, rw = _router(tok, pos_emb[:S], W_r, W_e)
    combined = _ffn(eids, rw, hidden, W1, b1, W2, b2)
    logits = _head(combined, token_emb)
    return logits.reshape(B, S, _VOCAB)

# --- scband reference (transcript-rebuilt; emitter-appended) ---
"""Pipeline reference for scband-pragnosia-model-51367808860246 (READ-ONLY COPY).

The authoritative reference and input builder live on the scoring server;
editing this copy changes nothing except your own understanding.
"""

import jax, jax.numpy as jnp
import numpy as np

VOCAB = 32000
D = 1024
MAX_POS = 2048
E = 8
TOP_K = 2
FF = 4096
R = 256
INHIB = 0.1


def setup_inputs(seed: int = 0) -> dict:
    key = jax.random.key(seed)
    ks = jax.random.split(key, 8)
    input_ids = jax.random.randint(ks[0], (1, 2048), 0, VOCAB, dtype=jnp.int64 if jax.config.jax_enable_x64 else jnp.int32)
    token_emb = jax.random.normal(ks[1], (VOCAB, D), dtype=jnp.float32) * 0.02
    pos_emb = jax.random.normal(ks[2], (MAX_POS, D), dtype=jnp.float32) * 0.02
    W_r = jax.random.normal(ks[3], (D, R), dtype=jnp.float32) * (1.0 / np.sqrt(D))
    W_e = jax.random.normal(ks[4], (R, E), dtype=jnp.float32) * (1.0 / np.sqrt(R))
    W1 = jax.random.normal(ks[5], (E, D, FF), dtype=jnp.float32) * (1.0 / np.sqrt(D))
    b1 = jnp.zeros((E, FF), dtype=jnp.float32)
    W2 = jax.random.normal(ks[6], (E, FF, D), dtype=jnp.float32) * (1.0 / np.sqrt(FF))
    b2 = jnp.zeros((E, D), dtype=jnp.float32)
    return {"input_ids": input_ids, "token_emb": token_emb, "pos_emb": pos_emb,
            "W_r": W_r, "W_e": W_e, "W1": W1, "b1": b1, "W2": W2, "b2": b2}


def reference(input_ids, token_emb, pos_emb, W_r, W_e, W1, b1, W2, b2):
    B, S = input_ids.shape
    # embeddings: token + position
    tok = jnp.take(token_emb, input_ids, axis=0)          # (B, S, D)
    pos = jnp.take(pos_emb, jnp.arange(S), axis=0)[None]  # (1, S, D)
    hidden = tok + pos                                     # (B, S, D)
    # Hebbian router: pooled features -> router space -> expert scores
    feat = jnp.tanh(hidden.mean(axis=(0, 1)) @ W_r)        # (R,)
    scores = feat @ W_e                                    # (E,)
    # lateral inhibition: each expert inhibited by mean of the others
    scores = scores - INHIB * (scores.sum() - scores) / (E - 1)
    vals, ids = jax.lax.top_k(scores, TOP_K)               # global top-k expert selection
    routing_weights = jax.nn.softmax(vals)                 # (TOP_K,)
    # gather the selected experts' parameters
    W1s = jnp.take(W1, ids, axis=0)  # (K, D, FF)
    b1s = jnp.take(b1, ids, axis=0)  # (K, FF)
    W2s = jnp.take(W2, ids, axis=0)  # (K, FF, D)
    b2s = jnp.take(b2, ids, axis=0)  # (K, D)
    # run each selected expert (FFN with GELU), weighted combine
    combined = jnp.zeros_like(hidden)
    for i in range(TOP_K):
        eo = jax.nn.gelu(hidden @ W1s[i] + b1s[i]) @ W2s[i] + b2s[i]
        combined = combined + routing_weights[i] * eo
    # tied output head
    logits = combined @ token_emb.T                        # (B, S, VOCAB)
    return logits

if __name__ == "__main__":
    import jax
    _d = setup_inputs()
    print(jax.jit(kernel)(*tuple(_d.values())))

</pallas_src>

<mosaic_0001>
#map = affine_map<(d0, d1) -> (0, 0)>
#map1 = affine_map<(d0, d1) -> (0)>
module attributes {stable_mosaic.version = 14 : i64} {
  func.func @k(%arg0: i32, %arg1: i32, %arg2: memref<32000x1024xf32, #tpu.memory_space<hbm>>, %arg3: memref<2048xi32, #tpu.memory_space<hbm>>, %arg4: memref<2048x1024xf32, #tpu.memory_space<hbm>>, %arg5: memref<64xi32, #tpu.memory_space<vmem>>, %arg6: memref<64x1024xf32, #tpu.memory_space<vmem>>, %arg7: memref<!tpu.dma_semaphore, #tpu.memory_space<semaphore_mem>>) attributes {dimension_semantics = [#tpu.dimension_semantics<core_parallel>, #tpu.dimension_semantics<subcore_parallel>], iteration_bounds = array<i64: 2, 16>, scalar_prefetch = 0 : i64, scratch_operands = 3 : i64, tpu.core_type = #tpu.core_type<sc_vector_subcore>, window_params = [{transform_indices = #map}, {transform_indices = #map1}, {transform_indices = #map}]} {
    %mul3A = arith.constant 2 : i32
    %mul3A_0 = arith.muli %arg1, %mul3A : i32
    %add3A = arith.addi %mul3A_0, %arg0 : i32
    %mul3A_1 = arith.constant 64 : i32
    %mul3A_2 = arith.muli %add3A, %mul3A_1 : i32
    "tpu.region"() ({
      %run_scoped3A = tpu.sem_alloc : memref<!tpu.dma_semaphore, #tpu.memory_space<semaphore_mem>>
      %dma_start3A_7 = tpu.memref_slice %arg3[%mul3A_2] : memref<2048xi32, #tpu.memory_space<hbm>> -> memref<64xi32, #tpu.memory_space<hbm>>
      %dma_start3A_8 = tpu.memref_slice %arg3[%mul3A_2] : memref<2048xi32, #tpu.memory_space<hbm>> -> memref<64xi32, #tpu.memory_space<hbm>>
      tpu.enqueue_dma source(%dma_start3A_8 : memref<64xi32, #tpu.memory_space<hbm>>) target(%arg5 : memref<64xi32, #tpu.memory_space<vmem>>) target_semaphore(%run_scoped3A : memref<!tpu.dma_semaphore, #tpu.memory_space<semaphore_mem>>)
      %dma_wait3A_9 = tpu.memref_slice %arg3[%mul3A_2] : memref<2048xi32, #tpu.memory_space<hbm>> -> memref<64xi32, #tpu.memory_space<hbm>>
      %dma_wait3A_10 = tpu.memref_slice %arg3[%mul3A_2] : memref<2048xi32, #tpu.memory_space<hbm>> -> memref<64xi32, #tpu.memory_space<hbm>>
      tpu.wait_dma2 semaphore(%run_scoped3A : memref<!tpu.dma_semaphore, #tpu.memory_space<semaphore_mem>>) src(%dma_wait3A_10 : memref<64xi32, #tpu.memory_space<hbm>>) dst(%arg5 : memref<64xi32, #tpu.memory_space<vmem>>)
      tpu.yield
    }) : () -> ()
    %dma_start3A = arith.constant 0 : i32
    %dma_start3A_3 = arith.constant 0 : i32
    %dma_start3A_4 = tpu.memref_slice %arg2[%dma_start3A, %dma_start3A_3] : memref<32000x1024xf32, #tpu.memory_space<hbm>> -> memref<32000x1024xf32, #tpu.memory_space<hbm>>
    tpu.enqueue_indirect_dma source(%dma_start3A_4 : memref<32000x1024xf32, #tpu.memory_space<hbm>>) target(%arg6 : memref<64x1024xf32, #tpu.memory_space<vmem>>) offsets(%arg5 : memref<64xi32, #tpu.memory_space<vmem>>) semaphore(%arg7 : memref<!tpu.dma_semaphore, #tpu.memory_space<semaphore_mem>>)
    %dma_wait3A = arith.constant 0 : i32
    %dma_wait3A_5 = arith.constant 0 : i32
    %dma_wait3A_6 = tpu.memref_slice %arg2[%dma_wait3A, %dma_wait3A_5] : memref<32000x1024xf32, #tpu.memory_space<hbm>> -> memref<32000x1024xf32, #tpu.memory_space<hbm>>
    tpu.wait_indirect_dma semaphore(%arg7 : memref<!tpu.dma_semaphore, #tpu.memory_space<semaphore_mem>>) src(%dma_wait3A_6 : memref<32000x1024xf32, #tpu.memory_space<hbm>>) dst(%arg6 : memref<64x1024xf32, #tpu.memory_space<vmem>>)
    "tpu.region"() ({
      %run_scoped3A = tpu.sem_alloc : memref<!tpu.dma_semaphore, #tpu.memory_space<semaphore_mem>>
      %dma_start3A_7 = arith.constant 0 : i32
      %dma_start3A_8 = tpu.memref_slice %arg4[%mul3A_2, %dma_start3A_7] : memref<2048x1024xf32, #tpu.memory_space<hbm>> -> memref<64x1024xf32, #tpu.memory_space<hbm>>
      %dma_start3A_9 = arith.constant 0 : i32
      %dma_start3A_10 = tpu.memref_slice %arg4[%mul3A_2, %dma_start3A_9] : memref<2048x1024xf32, #tpu.memory_space<hbm>> -> memref<64x1024xf32, #tpu.memory_space<hbm>>
      tpu.enqueue_dma source(%arg6 : memref<64x1024xf32, #tpu.memory_space<vmem>>) target(%dma_start3A_10 : memref<64x1024xf32, #tpu.memory_space<hbm>>) target_semaphore(%run_scoped3A : memref<!tpu.dma_semaphore, #tpu.memory_space<semaphore_mem>>)
      %dma_wait3A_11 = arith.constant 0 : i32
      %dma_wait3A_12 = tpu.memref_slice %arg4[%mul3A_2, %dma_wait3A_11] : memref<2048x1024xf32, #tpu.memory_space<hbm>> -> memref<64x1024xf32, #tpu.memory_space<hbm>>
      %dma_wait3A_13 = arith.constant 0 : i32
      %dma_wait3A_14 = tpu.memref_slice %arg4[%mul3A_2, %dma_wait3A_13] : memref<2048x1024xf32, #tpu.memory_space<hbm>> -> memref<64x1024xf32, #tpu.memory_space<hbm>>
      tpu.wait_dma2 semaphore(%run_scoped3A : memref<!tpu.dma_semaphore, #tpu.memory_space<semaphore_mem>>) src(%arg6 : memref<64x1024xf32, #tpu.memory_space<vmem>>) dst(%dma_wait3A_14 : memref<64x1024xf32, #tpu.memory_space<hbm>>)
      tpu.yield
    }) : () -> ()
    return
  }
}

module attributes {stable_mosaic.version = 14 : i64} {
  func.func @_ffn_body(%arg0: i32, %arg1: i32, %arg2: memref<2xi32, #tpu.memory_space<smem>>, %arg3: memref<2xf32, #tpu.memory_space<smem>>, %arg4: memref<2048x1024xbf16, #tpu.memory_space<vmem>>, %arg5: memref<1x1024x2048xf32, #tpu.memory_space<vmem>>, %arg6: memref<1x2048x1024xf32, #tpu.memory_space<vmem>>, %arg7: memref<2048x1024xbf16, #tpu.memory_space<vmem>>, %arg8: memref<2048x1024xf32, #tpu.memory_space<vmem>>) attributes {dimension_semantics = [#tpu.dimension_semantics<arbitrary>, #tpu.dimension_semantics<arbitrary>], iteration_bounds = array<i64: 2, 2>, scalar_prefetch = 1 : i64, scratch_operands = 1 : i64, tpu.core_type = #tpu.core_type<tc>, window_params = [{transform_indices = @transform_0, window_bounds = array<i64: 2>}, {pipeline_mode = #tpu.pipeline_mode<synchronous>, transform_indices = @transform_1, window_bounds = array<i64: 2048, 1024>}, {transform_indices = @transform_2, window_bounds = array<i64: 1, 1024, 2048>}, {transform_indices = @transform_3, window_bounds = array<i64: 1, 2048, 1024>}, {pipeline_mode = #tpu.pipeline_mode<synchronous>, transform_indices = @transform_4, window_bounds = array<i64: 2048, 1024>}]} {
    %get3A = arith.index_cast %arg0 : i32 to index
    %get3A_0 = memref.load %arg3[%get3A] : memref<2xf32, #tpu.memory_space<smem>>
    %get3A_1 = arith.constant 0 : index
    %get3A_2 = arith.constant 0 : index
    %get3A_3 = vector.load %arg4[%get3A_1, %get3A_2] : memref<2048x1024xbf16, #tpu.memory_space<vmem>>, vector<2048x1024xbf16>
    %get3A_4 = arith.constant 0 : index
    %get3A_5 = arith.constant 0 : index
    %get3A_6 = arith.constant 0 : index
    %get3A_7 = vector.load %arg5[%get3A_4, %get3A_5, %get3A_6] : memref<1x1024x2048xf32, #tpu.memory_space<vmem>>, vector<1x1024x2048xf32>
    %get3A_8 = vector.shape_cast %get3A_7 : vector<1x1024x2048xf32> to vector<1024x2048xf32>
    %convert_element_type3A = arith.truncf %get3A_8 : vector<1024x2048xf32> to vector<1024x2048xbf16>
    %dot_general3A = arith.constant dense<0.000000e+00> : vector<2048x2048xf32>
    %dot_general3A_9 = tpu.matmul %get3A_3, %convert_element_type3A, %dot_general3A {dimension_numbers = #tpu.dot_dimension_numbers<[1], [0], [0], [1], [0, 0, 1, 1], [], []>, transpose_lhs_hint = false} : vector<2048x1024xbf16>, vector<1024x2048xbf16>, vector<2048x2048xf32> -> vector<2048x2048xf32>
    %convert_element_type3A_10 = arith.truncf %dot_general3A_9 : vector<2048x2048xf32> to vector<2048x2048xbf16>
    %integer_pow3A = arith.mulf %convert_element_type3A_10, %convert_element_type3A_10 : vector<2048x2048xbf16>
    %integer_pow3A_11 = arith.mulf %convert_element_type3A_10, %integer_pow3A : vector<2048x2048xbf16>
    %mul3A = arith.constant 4.467770e-02 : bf16
    %mul3A_12 = vector.broadcast %mul3A : bf16 to vector<2048x2048xbf16>
    %mul3A_13 = arith.mulf %mul3A_12, %integer_pow3A_11 : vector<2048x2048xbf16>
    %add3A = arith.addf %convert_element_type3A_10, %mul3A_13 : vector<2048x2048xbf16>
    %mul3A_14 = arith.constant 7.968750e-01 : bf16
    %mul3A_15 = vector.broadcast %mul3A_14 : bf16 to vector<2048x2048xbf16>
    %mul3A_16 = arith.mulf %mul3A_15, %add3A : vector<2048x2048xbf16>
    %tanh3A = math.tanh %mul3A_16 : vector<2048x2048xbf16>
    %add3A_17 = arith.constant 1.000000e+00 : bf16
    %add3A_18 = vector.broadcast %add3A_17 : bf16 to vector<2048x2048xbf16>
    %add3A_19 = arith.addf %add3A_18, %tanh3A : vector<2048x2048xbf16>
    %mul3A_20 = arith.constant 5.000000e-01 : bf16
    %mul3A_21 = vector.broadcast %mul3A_20 : bf16 to vector<2048x2048xbf16>
    %mul3A_22 = arith.mulf %mul3A_21, %add3A_19 : vector<2048x2048xbf16>
    %mul3A_23 = arith.mulf %convert_element_type3A_10, %mul3A_22 : vector<2048x2048xbf16>
    %get3A_24 = arith.constant 0 : index
    %get3A_25 = arith.constant 0 : index
    %get3A_26 = arith.constant 0 : index
    %get3A_27 = vector.load %arg6[%get3A_24, %get3A_25, %get3A_26] : memref<1x2048x1024xf32, #tpu.memory_space<vmem>>, vector<1x2048x1024xf32>
    %get3A_28 = vector.shape_cast %get3A_27 : vector<1x2048x1024xf32> to vector<2048x1024xf32>
    %mul3A_29 = vector.broadcast %get3A_0 : f32 to vector<2048x1024xf32>
    %mul3A_30 = arith.mulf %mul3A_29, %get3A_28 : vector<2048x1024xf32>
    %convert_element_type3A_31 = arith.truncf %mul3A_30 : vector<2048x1024xf32> to vector<2048x1024xbf16>
    %dot_general3A_32 = arith.constant dense<0.000000e+00> : vector<2048x1024xf32>
    %dot_general3A_33 = tpu.matmul %mul3A_23, %convert_element_type3A_31, %dot_general3A_32 {dimension_numbers = #tpu.dot_dimension_numbers<[1], [0], [0], [1], [0, 0, 1, 1], [], []>, transpose_lhs_hint = false} : vector<2048x2048xbf16>, vector<2048x1024xbf16>, vector<2048x1024xf32> -> vector<2048x1024xf32>
    %eq3A = arith.constant 0 : i32
    %eq3A_34 = arith.cmpi eq, %arg0, %eq3A : i32
    %eq3A_35 = arith.constant 0 : i32
    %eq3A_36 = arith.cmpi eq, %arg1, %eq3A_35 : i32
    %and3A = arith.andi %eq3A_34, %eq3A_36 : i1
    %convert_element_type3A_37 = arith.extui %and3A : i1 to i32
    %cond3A = arith.constant 0 : i32
    %cond3A_38 = arith.cmpi ne, %convert_element_type3A_37, %cond3A : i32
    scf.if %cond3A_38 {
      %broadcast_in_dim3A = arith.constant 0.000000e+00 : f32
      %broadcast_in_dim3A_53 = vector.broadcast %broadcast_in_dim3A : f32 to vector<2048x1024xf32>
      %swap3A_54 = arith.constant 0 : index
      %swap3A_55 = arith.constant 0 : index
      %swap3A_56 = vector.load %arg8[%swap3A_54, %swap3A_55] : memref<2048x1024xf32, #tpu.memory_space<vmem>>, vector<2048x1024xf32>
      tpu.vector_store %arg8[%swap3A_54, %swap3A_55], %broadcast_in_dim3A_53 {strides = array<i32>} : memref<2048x1024xf32, #tpu.memory_space<vmem>>, vector<2048x1024xf32>,
    } else {
    }
    %get3A_39 = arith.constant 0 : index
    %get3A_40 = arith.constant 0 : index
    %get3A_41 = vector.load %arg8[%get3A_39, %get3A_40] : memref<2048x1024xf32, #tpu.memory_space<vmem>>, vector<2048x1024xf32>
    %add3A_42 = arith.addf %get3A_41, %dot_general3A_33 : vector<2048x1024xf32>
    %swap3A = arith.constant 0 : index
    %swap3A_43 = arith.constant 0 : index
    %swap3A_44 = vector.load %arg8[%swap3A, %swap3A_43] : memref<2048x1024xf32, #tpu.memory_space<vmem>>, vector<2048x1024xf32>
    tpu.vector_store %arg8[%swap3A, %swap3A_43], %add3A_42 {strides = array<i32>} : memref<2048x1024xf32, #tpu.memory_space<vmem>>, vector<2048x1024xf32>,
    %eq3A_45 = arith.constant 1 : i32
    %eq3A_46 = arith.cmpi eq, %arg0, %eq3A_45 : i32
    %eq3A_47 = arith.constant 1 : i32
    %eq3A_48 = arith.cmpi eq, %arg1, %eq3A_47 : i32
    %and3A_49 = arith.andi %eq3A_46, %eq3A_48 : i1
    %convert_element_type3A_50 = arith.extui %and3A_49 : i1 to i32
    %cond3A_51 = arith.constant 0 : i32
    %cond3A_52 = arith.cmpi ne, %convert_element_type3A_50, %cond3A_51 : i32
    scf.if %cond3A_52 {
      %get3A_53 = arith.constant 0 : index
      %get3A_54 = arith.constant 0 : index
      %get3A_55 = vector.load %arg8[%get3A_53, %get3A_54] : memref<2048x1024xf32, #tpu.memory_space<vmem>>, vector<2048x1024xf32>
      %convert_element_type3A_56 = arith.truncf %get3A_55 : vector<2048x1024xf32> to vector<2048x1024xbf16>
      %swap3A_57 = arith.constant 0 : index
      %swap3A_58 = arith.constant 0 : index
      %swap3A_59 = vector.load %arg7[%swap3A_57, %swap3A_58] : memref<2048x1024xbf16, #tpu.memory_space<vmem>>, vector<2048x1024xbf16>
      tpu.vector_store %arg7[%swap3A_57, %swap3A_58], %convert_element_type3A_56 {strides = array<i32>} : memref<2048x1024xbf16, #tpu.memory_space<vmem>>, vector<2048x1024xbf16>,
    } else {
    }
    return
  }
  func.func @transform_0(%arg0: i32, %arg1: i32, %arg2: memref<2xi32, #tpu.memory_space<smem>>) -> i32 {
    %c0_i32 = arith.constant 0 : i32
    %c0_i32_0 = arith.constant 0 : i32
    return %c0_i32 : i32
  }
  func.func @transform_1(%arg0: i32, %arg1: i32, %arg2: memref<2xi32, #tpu.memory_space<smem>>) -> (i32, i32) {
    %c0_i32 = arith.constant 0 : i32
    %c0_i32_0 = arith.constant 0 : i32
    %c0_i32_1 = arith.constant 0 : i32
    return %c0_i32, %c0_i32_0 : i32, i32
  }
  func.func @transform_2(%arg0: i32, %arg1: i32, %arg2: memref<2xi32, #tpu.memory_space<smem>>) -> (i32, i32, i32) {
    %get3A = arith.index_cast %arg0 : i32 to index
    %get3A_0 = memref.load %arg2[%get3A] : memref<2xi32, #tpu.memory_space<smem>>
    %c0_i32 = arith.constant 0 : i32
    %c0_i32_1 = arith.constant 0 : i32
    return %get3A_0, %c0_i32, %arg1 : i32, i32, i32
  }
  func.func @transform_3(%arg0: i32, %arg1: i32, %arg2: memref<2xi32, #tpu.memory_space<smem>>) -> (i32, i32, i32) {
    %get3A = arith.index_cast %arg0 : i32 to index
    %get3A_0 = memref.load %arg2[%get3A] : memref<2xi32, #tpu.memory_space<smem>>
    %c0_i32 = arith.constant 0 : i32
    %c0_i32_1 = arith.constant 0 : i32
    return %get3A_0, %arg1, %c0_i32 : i32, i32, i32
  }
  func.func @transform_4(%arg0: i32, %arg1: i32, %arg2: memref<2xi32, #tpu.memory_space<smem>>) -> (i32, i32) {
    %c0_i32 = arith.constant 0 : i32
    %c0_i32_0 = arith.constant 0 : i32
    %c0_i32_1 = arith.constant 0 : i32
    return %c0_i32, %c0_i32_0 : i32, i32
  }
}

module attributes {stable_mosaic.version = 14 : i64} {
  func.func @_head_body(%arg0: i32, %arg1: memref<2048x1024xbf16, #tpu.memory_space<vmem>>, %arg2: memref<1280x1024xf32, #tpu.memory_space<vmem>>, %arg3: memref<2048x1280xf32, #tpu.memory_space<vmem>>) attributes {dimension_semantics = [#tpu.dimension_semantics<arbitrary>], iteration_bounds = array<i64: 25>, scalar_prefetch = 0 : i64, scratch_operands = 0 : i64, tpu.core_type = #tpu.core_type<tc>, window_params = [{pipeline_mode = #tpu.pipeline_mode<synchronous>, transform_indices = @transform_0, window_bounds = array<i64: 2048, 1024>}, {transform_indices = @transform_1, window_bounds = array<i64: 1280, 1024>}, {transform_indices = @transform_2, window_bounds = array<i64: 2048, 1280>}]} {
    %get3A = arith.constant 0 : index
    %get3A_0 = arith.constant 0 : index
    %get3A_1 = vector.load %arg1[%get3A, %get3A_0] : memref<2048x1024xbf16, #tpu.memory_space<vmem>>, vector<2048x1024xbf16>
    %get3A_2 = arith.constant 0 : index
    %get3A_3 = arith.constant 0 : index
    %get3A_4 = vector.load %arg2[%get3A_2, %get3A_3] : memref<1280x1024xf32, #tpu.memory_space<vmem>>, vector<1280x1024xf32>
    %convert_element_type3A = arith.truncf %get3A_4 : vector<1280x1024xf32> to vector<1280x1024xbf16>
    %dot_general3A = arith.constant dense<0.000000e+00> : vector<2048x1280xf32>
    %dot_general3A_5 = tpu.matmul %get3A_1, %convert_element_type3A, %dot_general3A {dimension_numbers = #tpu.dot_dimension_numbers<[1], [1], [0], [0], [0, 0, 1, 0], [], []>, transpose_lhs_hint = false} : vector<2048x1024xbf16>, vector<1280x1024xbf16>, vector<2048x1280xf32> -> vector<2048x1280xf32>
    %swap3A = arith.constant 0 : index
    %swap3A_6 = arith.constant 0 : index
    %swap3A_7 = vector.load %arg3[%swap3A, %swap3A_6] : memref<2048x1280xf32, #tpu.memory_space<vmem>>, vector<2048x1280xf32>
    tpu.vector_store %arg3[%swap3A, %swap3A_6], %dot_general3A_5 {strides = array<i32>} : memref<2048x1280xf32, #tpu.memory_space<vmem>>, vector<2048x1280xf32>,
    return
  }
  func.func @transform_0(%arg0: i32) -> (i32, i32) {
    %c0_i32 = arith.constant 0 : i32
    %c0_i32_0 = arith.constant 0 : i32
    %c0_i32_1 = arith.constant 0 : i32
    return %c0_i32, %c0_i32_0 : i32, i32
  }
  func.func @transform_1(%arg0: i32) -> (i32, i32) {
    %c0_i32 = arith.constant 0 : i32
    %c0_i32_0 = arith.constant 0 : i32
    return %arg0, %c0_i32 : i32, i32
  }
  func.func @transform_2(%arg0: i32) -> (i32, i32) {
    %c0_i32 = arith.constant 0 : i32
    %c0_i32_0 = arith.constant 0 : i32
    return %c0_i32, %arg0 : i32, i32
  }
}

module attributes {stable_mosaic.version = 14 : i64} {
  func.func @_router_body(%arg0: i32, %arg1: memref<1024x1024xf32, #tpu.memory_space<vmem>>, %arg2: memref<1024x1024xf32, #tpu.memory_space<vmem>>, %arg3: memref<1024x256xf32, #tpu.memory_space<vmem>>, %arg4: memref<256x8xf32, #tpu.memory_space<vmem>>, %arg5: memref<1024x1024xbf16, #tpu.memory_space<vmem>>, %arg6: memref<2xi32, #tpu.memory_space<smem>>, %arg7: memref<2xf32, #tpu.memory_space<smem>>, %arg8: memref<1x1024xf32, #tpu.memory_space<vmem>>) attributes {dimension_semantics = [#tpu.dimension_semantics<arbitrary>], iteration_bounds = array<i64: 2>, scalar_prefetch = 0 : i64, scratch_operands = 1 : i64, tpu.core_type = #tpu.core_type<tc>, window_params = [{transform_indices = @transform_0, window_bounds = array<i64: 1024, 1024>}, {transform_indices = @transform_1, window_bounds = array<i64: 1024, 1024>}, {pipeline_mode = #tpu.pipeline_mode<synchronous>, transform_indices = @transform_2, window_bounds = array<i64: 1024, 256>}, {pipeline_mode = #tpu.pipeline_mode<synchronous>, transform_indices = @transform_3, window_bounds = array<i64: 256, 8>}, {transform_indices = @transform_4, window_bounds = array<i64: 1024, 1024>}, {transform_indices = @transform_5, window_bounds = array<i64: 2>}, {transform_indices = @transform_6, window_bounds = array<i64: 2>}]} {
    %get3A = arith.constant 0 : index
    %get3A_0 = arith.constant 0 : index
    %get3A_1 = vector.load %arg1[%get3A, %get3A_0] : memref<1024x1024xf32, #tpu.memory_space<vmem>>, vector<1024x1024xf32>
    %get3A_2 = arith.constant 0 : index
    %get3A_3 = arith.constant 0 : index
    %get3A_4 = vector.load %arg2[%get3A_2, %get3A_3] : memref<1024x1024xf32, #tpu.memory_space<vmem>>, vector<1024x1024xf32>
    %add3A = arith.addf %get3A_1, %get3A_4 : vector<1024x1024xf32>
    %convert_element_type3A = arith.truncf %add3A : vector<1024x1024xf32> to vector<1024x1024xbf16>
    %swap3A = arith.constant 0 : index
    %swap3A_5 = arith.constant 0 : index
    %swap3A_6 = vector.load %arg5[%swap3A, %swap3A_5] : memref<1024x1024xbf16, #tpu.memory_space<vmem>>, vector<1024x1024xbf16>
    tpu.vector_store %arg5[%swap3A, %swap3A_5], %convert_element_type3A {strides = array<i32>} : memref<1024x1024xbf16, #tpu.memory_space<vmem>>, vector<1024x1024xbf16>,
    %reduce_sum3A = arith.constant dense<0.000000e+00> : vector<1024xf32>
    %reduce_sum3A_7 = vector.multi_reduction <add>, %add3A, %reduce_sum3A [0] : vector<1024x1024xf32> to vector<1024xf32>
    %broadcast_in_dim3A = vector.shape_cast %reduce_sum3A_7 : vector<1024xf32> to vector<1x1024xf32>
    %eq3A = arith.constant 0 : i32
    %eq3A_8 = arith.cmpi eq, %arg0, %eq3A : i32
    %convert_element_type3A_9 = arith.extui %eq3A_8 : i1 to i32
    %cond3A = arith.constant 0 : i32
    %cond3A_10 = arith.cmpi ne, %convert_element_type3A_9, %cond3A : i32
    scf.if %cond3A_10 {
      %broadcast_in_dim3A_23 = arith.constant 0.000000e+00 : f32
      %broadcast_in_dim3A_24 = vector.broadcast %broadcast_in_dim3A_23 : f32 to vector<1x1024xf32>
      %swap3A_25 = arith.constant 0 : index
      %swap3A_26 = arith.constant 0 : index
      %swap3A_27 = vector.load %arg8[%swap3A_25, %swap3A_26] : memref<1x1024xf32, #tpu.memory_space<vmem>>, vector<1x1024xf32>
      tpu.vector_store %arg8[%swap3A_25, %swap3A_26], %broadcast_in_dim3A_24 {strides = array<i32>} : memref<1x1024xf32, #tpu.memory_space<vmem>>, vector<1x1024xf32>,
    } else {
    }
    %get3A_11 = arith.constant 0 : index
    %get3A_12 = arith.constant 0 : index
    %get3A_13 = vector.load %arg8[%get3A_11, %get3A_12] : memref<1x1024xf32, #tpu.memory_space<vmem>>, vector<1x1024xf32>
    %add3A_14 = arith.addf %get3A_13, %broadcast_in_dim3A : vector<1x1024xf32>
    %swap3A_15 = arith.constant 0 : index
    %swap3A_16 = arith.constant 0 : index
    %swap3A_17 = vector.load %arg8[%swap3A_15, %swap3A_16] : memref<1x1024xf32, #tpu.memory_space<vmem>>, vector<1x1024xf32>
    tpu.vector_store %arg8[%swap3A_15, %swap3A_16], %add3A_14 {strides = array<i32>} : memref<1x1024xf32, #tpu.memory_space<vmem>>, vector<1x1024xf32>,
    %eq3A_18 = arith.constant 1 : i32
    %eq3A_19 = arith.cmpi eq, %arg0, %eq3A_18 : i32
    %convert_element_type3A_20 = arith.extui %eq3A_19 : i1 to i32
    %cond3A_21 = arith.constant 0 : i32
    %cond3A_22 = arith.cmpi ne, %convert_element_type3A_20, %cond3A_21 : i32
    scf.if %cond3A_22 {
      %get3A_23 = arith.constant 0 : index
      %get3A_24 = arith.constant 0 : index
      %get3A_25 = vector.load %arg8[%get3A_23, %get3A_24] : memref<1x1024xf32, #tpu.memory_space<vmem>>, vector<1x1024xf32>
      %div3A = arith.constant 2.048000e+03 : f32
      %div3A_26 = vector.broadcast %div3A : f32 to vector<1x1024xf32>
      %div3A_27 = arith.divf %get3A_25, %div3A_26 : vector<1x1024xf32>
      %get3A_28 = arith.constant 0 : index
      %get3A_29 = arith.constant 0 : index
      %get3A_30 = vector.load %arg3[%get3A_28, %get3A_29] : memref<1024x256xf32, #tpu.memory_space<vmem>>, vector<1024x256xf32>
      %dot_general3A = arith.constant dense<0.000000e+00> : vector<1x256xf32>
      %dot_general3A_31 = tpu.matmul %div3A_27, %get3A_30, %dot_general3A {dimension_numbers = #tpu.dot_dimension_numbers<[1], [0], [0], [1], [0, 0, 1, 1], [], []>, precision = #tpu.contract_precision<fp32>, transpose_lhs_hint = false} : vector<1x1024xf32>, vector<1024x256xf32>, vector<1x256xf32> -> vector<1x256xf32>
      %tanh3A = math.tanh %dot_general3A_31 : vector<1x256xf32>
      %get3A_32 = arith.constant 0 : index
      %get3A_33 = arith.constant 0 : index
      %get3A_34 = vector.load %arg4[%get3A_32, %get3A_33] : memref<256x8xf32, #tpu.memory_space<vmem>>, vector<256x8xf32>
      %dot_general3A_35 = arith.constant dense<0.000000e+00> : vector<1x8xf32>
      %dot_general3A_36 = tpu.matmul %tanh3A, %get3A_34, %dot_general3A_35 {dimension_numbers = #tpu.dot_dimension_numbers<[1], [0], [0], [1], [0, 0, 1, 1], [], []>, precision = #tpu.contract_precision<fp32>, transpose_lhs_hint = false} : vector<1x256xf32>, vector<256x8xf32>, vector<1x8xf32> -> vector<1x8xf32>
      %reduce_sum3A_37 = vector.shape_cast %dot_general3A_36 : vector<1x8xf32> to vector<1x1x8xf32>
      %reduce_sum3A_38 = arith.constant dense<0.000000e+00> : vector<1xf32>
      %reduce_sum3A_39 = vector.multi_reduction <add>, %reduce_sum3A_37, %reduce_sum3A_38 [1, 2] : vector<1x1x8xf32> to vector<1xf32>
      %reduce_sum3A_40 = vector.shape_cast %reduce_sum3A_39 : vector<1xf32> to vector<1x1x1xf32>
      %reduce_sum3A_41 = vector.extract %reduce_sum3A_40[0, 0, 0] : f32 from vector<1x1x1xf32>
      %sub3A = vector.broadcast %reduce_sum3A_41 : f32 to vector<1x8xf32>
      %sub3A_42 = arith.subf %sub3A, %dot_general3A_36 : vector<1x8xf32>
      %mul3A = arith.constant 1.000000e-01 : f32
      %mul3A_43 = vector.broadcast %mul3A : f32 to vector<1x8xf32>
      %mul3A_44 = arith.mulf %mul3A_43, %sub3A_42 : vector<1x8xf32>
      %div3A_45 = arith.constant 7.000000e+00 : f32
      %div3A_46 = vector.broadcast %div3A_45 : f32 to vector<1x8xf32>
      %div3A_47 = arith.divf %mul3A_44, %div3A_46 : vector<1x8xf32>
      %sub3A_48 = arith.subf %dot_general3A_36, %div3A_47 : vector<1x8xf32>
      %iota3A = tpu.iota {dimensions = array<i32: 1>} : vector<1x8xi32>
      %reduce_max3A = vector.shape_cast %sub3A_48 : vector<1x8xf32> to vector<1x1x8xf32>
      %reduce_max3A_49 = arith.constant dense<0xFF800000> : vector<1xf32>
      %reduce_max3A_50 = vector.multi_reduction <maximumf>, %reduce_max3A, %reduce_max3A_49 [1, 2] : vector<1x1x8xf32> to vector<1xf32>
      %reduce_max3A_51 = vector.shape_cast %reduce_max3A_50 : vector<1xf32> to vector<1x1x1xf32>
      %reduce_max3A_52 = vector.extract %reduce_max3A_51[0, 0, 0] : f32 from vector<1x1x1xf32>
      %eq3A_53 = vector.broadcast %reduce_max3A_52 : f32 to vector<1x8xf32>
      %eq3A_54 = arith.cmpf oeq, %sub3A_48, %eq3A_53 : vector<1x8xf32>
      %jit3A = arith.constant 8 : i32
      %broadcast_in_dim3A_55 = vector.broadcast %jit3A : i32 to vector<1x8xi32>
      %select_n3A = arith.select %eq3A_54, %iota3A, %broadcast_in_dim3A_55 : vector<1x8xi1>, vector<1x8xi32>
      %reduce_min3A = vector.shape_cast %select_n3A : vector<1x8xi32> to vector<1x1x8xi32>
      %reduce_min3A_56 = arith.constant dense<2147483647> : vector<1xi32>
      %reduce_min3A_57 = vector.multi_reduction <minsi>, %reduce_min3A, %reduce_min3A_56 [1, 2] : vector<1x1x8xi32> to vector<1xi32>
      %reduce_min3A_58 = vector.shape_cast %reduce_min3A_57 : vector<1xi32> to vector<1x1x1xi32>
      %reduce_min3A_59 = vector.extract %reduce_min3A_58[0, 0, 0] : i32 from vector<1x1x1xi32>
      %eq3A_60 = vector.broadcast %reduce_min3A_59 : i32 to vector<1x8xi32>
      %eq3A_61 = arith.cmpi eq, %iota3A, %eq3A_60 : vector<1x8xi32>
      %jit3A_62 = arith.constant 0xFF800000 : f32
      %broadcast_in_dim3A_63 = vector.broadcast %jit3A_62 : f32 to vector<1x8xf32>
      %select_n3A_64 = arith.select %eq3A_61, %broadcast_in_dim3A_63, %sub3A_48 : vector<1x8xi1>, vector<1x8xf32>
      %reduce_max3A_65 = vector.shape_cast %select_n3A_64 : vector<1x8xf32> to vector<1x1x8xf32>
      %reduce_max3A_66 = arith.constant dense<0xFF800000> : vector<1xf32>
      %reduce_max3A_67 = vector.multi_reduction <maximumf>, %reduce_max3A_65, %reduce_max3A_66 [1, 2] : vector<1x1x8xf32> to vector<1xf32>
      %reduce_max3A_68 = vector.shape_cast %reduce_max3A_67 : vector<1xf32> to vector<1x1x1xf32>
      %reduce_max3A_69 = vector.extract %reduce_max3A_68[0, 0, 0] : f32 from vector<1x1x1xf32>
      %eq3A_70 = vector.broadcast %reduce_max3A_69 : f32 to vector<1x8xf32>
      %eq3A_71 = arith.cmpf oeq, %select_n3A_64, %eq3A_70 : vector<1x8xf32>
      %jit3A_72 = arith.constant 8 : i32
      %broadcast_in_dim3A_73 = vector.broadcast %jit3A_72 : i32 to vector<1x8xi32>
      %select_n3A_74 = arith.select %eq3A_71, %iota3A, %broadcast_in_dim3A_73 : vector<1x8xi1>, vector<1x8xi32>
      %reduce_min3A_75 = vector.shape_cast %select_n3A_74 : vector<1x8xi32> to vector<1x1x8xi32>
      %reduce_min3A_76 = arith.constant dense<2147483647> : vector<1xi32>
      %reduce_min3A_77 = vector.multi_reduction <minsi>, %reduce_min3A_75, %reduce_min3A_76 [1, 2] : vector<1x1x8xi32> to vector<1xi32>
      %reduce_min3A_78 = vector.shape_cast %reduce_min3A_77 : vector<1xi32> to vector<1x1x1xi32>
      %reduce_min3A_79 = vector.extract %reduce_min3A_78[0, 0, 0] : i32 from vector<1x1x1xi32>
      %sub3A_80 = arith.subf %reduce_max3A_69, %reduce_max3A_52 : f32
      %exp3A = math.exp %sub3A_80 : f32
      %add3A_81 = arith.constant 1.000000e+00 : f32
      %add3A_82 = arith.addf %add3A_81, %exp3A : f32
      %div3A_83 = arith.constant 1.000000e+00 : f32
      %div3A_84 = arith.divf %div3A_83, %add3A_82 : f32
      %swap3A_85 = arith.constant 0 : index
      %swap3A_86 = memref.load %arg6[%swap3A_85] : memref<2xi32, #tpu.memory_space<smem>>
      memref.store %reduce_min3A_59, %arg6[%swap3A_85] : memref<2xi32, #tpu.memory_space<smem>>
      %swap3A_87 = arith.constant 1 : index
      %swap3A_88 = memref.load %arg6[%swap3A_87] : memref<2xi32, #tpu.memory_space<smem>>
      memref.store %reduce_min3A_79, %arg6[%swap3A_87] : memref<2xi32, #tpu.memory_space<smem>>
      %swap3A_89 = arith.constant 0 : index
      %swap3A_90 = memref.load %arg7[%swap3A_89] : memref<2xf32, #tpu.memory_space<smem>>
      memref.store %div3A_84, %arg7[%swap3A_89] : memref<2xf32, #tpu.memory_space<smem>>
      %mul3A_91 = arith.mulf %exp3A, %div3A_84 : f32
      %swap3A_92 = arith.constant 1 : index
      %swap3A_93 = memref.load %arg7[%swap3A_92] : memref<2xf32, #tpu.memory_space<smem>>
      memref.store %mul3A_91, %arg7[%swap3A_92] : memref<2xf32, #tpu.memory_space<smem>>
    } else {
    }
    return
  }
  func.func @transform_0(%arg0: i32) -> (i32, i32) {
    %c0_i32 = arith.constant 0 : i32
    %c0_i32_0 = arith.constant 0 : i32
    return %arg0, %c0_i32 : i32, i32
  }
  func.func @transform_1(%arg0: i32) -> (i32, i32) {
    %c0_i32 = arith.constant 0 : i32
    %c0_i32_0 = arith.constant 0 : i32
    return %arg0, %c0_i32 : i32, i32
  }
  func.func @transform_2(%arg0: i32) -> (i32, i32) {
    %c0_i32 = arith.constant 0 : i32
    %c0_i32_0 = arith.constant 0 : i32
    %c0_i32_1 = arith.constant 0 : i32
    return %c0_i32, %c0_i32_0 : i32, i32
  }
  func.func @transform_3(%arg0: i32) -> (i32, i32) {
    %c0_i32 = arith.constant 0 : i32
    %c0_i32_0 = arith.constant 0 : i32
    %c0_i32_1 = arith.constant 0 : i32
    return %c0_i32, %c0_i32_0 : i32, i32
  }
  func.func @transform_4(%arg0: i32) -> (i32, i32) {
    %c0_i32 = arith.constant 0 : i32
    %c0_i32_0 = arith.constant 0 : i32
    return %arg0, %c0_i32 : i32, i32
  }
  func.func @transform_5(%arg0: i32) -> i32 {
    %c0_i32 = arith.constant 0 : i32
    %c0_i32_0 = arith.constant 0 : i32
    return %c0_i32 : i32
  }
  func.func @transform_6(%arg0: i32) -> i32 {
    %c0_i32 = arith.constant 0 : i32
    %c0_i32_0 = arith.constant 0 : i32
    return %c0_i32 : i32
  }
}

</mosaic_0001>

<sc_bundles>
// kernel: kernel.6.cloned.1.call-start
scs
__scs_entry_jumppad:
0x0: {  	(pc) =	sbr.rel $0x88, $3  }
0x1: {  	(tag) =	ssettag $0x0;
	lr =	simm.s32 $0x1  }
0x2: {  	[smem:$0x3F9A] =	sst lr;
	_ =	strace $0xD0000000  }
0x3: {  	_ = 	snop  }
0x4: {  	_ = 	snop  }
0x5: {  	_ = 	snop  }
0x6: {  	_ = 	snop  }
0x7: {  	_ = 	snop  }
__scs_overlays_trampoline_lowered:
0x8: {  	[smem:$0x3FA9] =	sst s0  }
0x9: {  	[smem:$0x3FAA] =	sst s1  }
0xa: {  	[smem:$0x3FAB] =	sst s2  }
0xb: {  	[smem:$0x3FAC] =	sst s3  }
0xc: {  	[smem:$0x3FAD] =	sst s4  }
0xd: {  	[smem:$0x3FAE] =	sst s5  }
0xe: {  	[smem:$0x3FAF] =	sst s6  }
0xf: {  	[smem:$0x3FB0] =	sst s7  }
0x10: {  	[smem:$0x3FB1] =	sst s8  }
0x11: {  	[smem:$0x3FB2] =	sst s9;
	s0 =	simm.s32 @!p0 $0x0  }
0x12: {  	s1 =	sld [smem:$0x3F98];
	s0 =	simm.s32 @p0 $0x1  }
0x13: {  	[smem:$0x3FB3] =	sst s0;
	s0 =	simm.s32 @!p1 $0x0  }
0x14: {  	s2 =	sld [smem:$0x3F97];
	s0 =	simm.s32 @p1 $0x1  }
0x15: {  	[smem:$0x3FB4] =	sst s0;
	s0 =	simm.s32 @!p2 $0x0  }
0x16: {  	s3 =	sld [smem:$0x3FDB];
	s0 =	simm.s32 @p2 $0x1  }
0x17: {  	s4 =	simm.s32 $0x1BF5;
	[smem:$0x3FB6] =	sst s0  }
0x18: {  	s0 =	sld [smem:$0x3F99];
	_ =	swait.ge [sflag:s4], $0x0  }
0x19: {  	s7 =	sld [smem:$0x3F9A]  }
0x1a: {  	s8 =	sadd.s32 $0xFFFFE003, lr  }
0x1b: {  	s9 =	sadd.s32 $0xFFFFFEF7, lr;
	s5 =	simm.s32 $0xFFFFFFFF;
	p2 =	slt.u32 s8, $0xFFFFF086  }
0x1c: {  	p1 =	slt.u32 s9, $0xF7A;
	s5 =	simm.s32 @!p2 $0x0  }
0x1d: {  	s5 =	simm.s32 @p1 $0x1;
	p0 =	seq.s32 s7, s2  }
0x1e: {  	s7 =	smul.u32 @!p0 $0xF7A, s2;
	p2 =	seq.s32 @!p0 s5, $0x0  }
0x1f: {  	s9 =	smul.u32 $0xF7A, s1;
	s8 =	simm.s32 @!p0 $0x1BF5;
	p2 =	por !p2, p0  }
0x20: {  	[sflag:s8] =	ssyncset.s32 @!p0 $0xFFFFF086;
	s6 =	sadd.s32 @!p0 s3, s7;
	s7 =	simm.s32 @!p0 $0x108  }
0x21: {  	s3 =	sadd.s32 s3, s9;
	s6 =	sadd.s32 @!p0 $0x88, s6;
	s7 =	simm.s32 @p2 $0x1082  }
0x22: {  	[simem:s7], [sflag:s8] =	dma.local @!p0 [hbm:s6], $0xF7A  }
0x23: {  	s9 =	sor.u32 $0xD0000000, s2;
	s6 =	simm.s32 $0x108;
	_ =	swait.ge @!p0 [sflag:s8], $0x0  }
0x24: {  	s3 =	sadd.s32 $0x88, s3;
	s6 =	simm.s32 @!p1 $0x1082;
	[sflag:s4] =	ssyncset.s32 $0xFFFFF086  }
0x25: {  	[simem:s6], [sflag:s4] =	dma.local [hbm:s3], $0xF7A  }
0x26: {  	[smem:$0x3F9A] =	sst s1;
	(tag) =	ssettag s2;
	_ =	strace s9  }
0x27: {  	s1 =	sld [smem:$0x3FAA]  }
0x28: {  	s2 =	sld [smem:$0x3FAB]  }
0x29: {  	s4 =	sld [smem:$0x3FAD]  }
0x2a: {  	p0 =	seq.s32 s5, $0x0;
	s5 =	sld [smem:$0x3FAE]  }
0x2b: {  	s6 =	sld [smem:$0x3FAF]  }
0x2c: {  	s7 =	sld [smem:$0x3FB0]  }
0x2d: {  	s3 =	simm.s32 $0x108;
	s8 =	sld [smem:$0x3FB1]  }
0x2e: {  	s3 =	simm.s32 @!p0 $0x1082;
	s9 =	sld [smem:$0x3FB2]  }
0x2f: {  	lr =	sadd.s32 s0, s3;
	s0 =	sld [smem:$0x3FA9]  }
0x30: {  	s3 =	sld [smem:$0x3FAC]  }
0x31: {  	[smem:$0x3FB5] =	sst s10  }
0x32: {  	s10 =	sld [smem:$0x3FB3];
	_ =	sdelay $0x3  }
0x33: {  	p0 =	seq.s32 s10, $0x1;
	s10 =	sld [smem:$0x3FB5];
	_ =	sdelay $0x3  }
0x34: {  	[smem:$0x3FB5] =	sst s10  }
0x35: {  	s10 =	sld [smem:$0x3FB4];
	_ =	sdelay $0x3  }
0x36: {  	p1 =	seq.s32 s10, $0x1;
	s10 =	sld [smem:$0x3FB5];
	_ =	sdelay $0x3  }
0x37: {  	[smem:$0x3FB5] =	sst s10  }
0x38: {  	s10 =	sld [smem:$0x3FB6]  }
0x39: {  	_ = 	snop;
	(pc) =	sbr.ind lr, $3  }
0x3a: {  	_ = 	snop  }
0x3b: {  	_ = 	snop  }
0x3c: {  	p2 =	seq.s32 s10, $0x1;
	s10 =	sld [smem:$0x3FB5]  }
0x3d: {  	_ =	shalt  }
0x3e: {  	_ =	shalt  }
0x3f: {  	_ =	shalt  }
0x40: {  	_ =	shalt  }
0x41: {  	_ =	shalt  }
0x42: {  	_ =	shalt  }
0x43: {  	_ =	shalt  }
0x44: {  	_ =	shalt  }
0x45: {  	_ =	shalt  }
0x46: {  	_ =	shalt  }
0x47: {  	_ =	shalt  }
0x48: {  	_ =	shalt  }
0x49: {  	_ =	shalt  }
0x4a: {  	_ =	shalt  }
0x4b: {  	_ =	shalt  }
0x4c: {  	_ =	shalt  }
0x4d: {  	_ =	shalt  }
0x4e: {  	_ =	shalt  }
0x4f: {  	_ =	shalt  }
0x50: {  	_ =	shalt  }
0x51: {  	_ =	shalt  }
0x52: {  	_ =	shalt  }
0x53: {  	_ =	shalt  }
0x54: {  	_ =	shalt  }
0x55: {  	_ =	shalt  }
0x56: {  	_ =	shalt  }
0x57: {  	_ =	shalt  }
0x58: {  	_ =	shalt  }
0x59: {  	_ =	shalt  }
0x5a: {  	_ =	shalt  }
0x5b: {  	_ =	shalt  }
0x5c: {  	_ =	shalt  }
0x5d: {  	_ =	shalt  }
0x5e: {  	_ =	shalt  }
0x5f: {  	_ =	shalt  }
0x60: {  	_ =	shalt  }
0x61: {  	_ =	shalt  }
0x62: {  	_ =	shalt  }
0x63: {  	_ =	shalt  }
0x64: {  	_ =	shalt  }
0x65: {  	_ =	shalt  }
0x66: {  	_ =	shalt  }
0x67: {  	_ =	shalt  }
0x68: {  	_ =	shalt  }
0x69: {  	_ =	shalt  }
0x6a: {  	_ =	shalt  }
0x6b: {  	_ =	shalt  }
0x6c: {  	_ =	shalt  }
0x6d: {  	_ =	shalt  }
0x6e: {  	_ =	shalt  }
0x6f: {  	_ =	shalt  }
0x70: {  	_ =	shalt  }
0x71: {  	_ =	shalt  }
0x72: {  	_ =	shalt  }
0x73: {  	_ =	shalt  }
0x74: {  	_ =	shalt  }
0x75: {  	_ =	shalt  }
0x76: {  	_ =	shalt  }
0x77: {  	_ =	shalt  }
0x78: {  	_ =	shalt  }
0x79: {  	_ =	shalt  }
0x7a: {  	_ =	shalt  }
0x7b: {  	_ =	shalt  }
0x7c: {  	_ =	shalt  }
0x7d: {  	_ =	shalt  }
0x7e: {  	_ =	shalt  }
0x7f: {  	_ =	shalt  }
0x80: {  	_ =	shalt  }
0x81: {  	_ =	shalt  }
0x82: {  	_ =	shalt  }
0x83: {  	_ =	shalt  }
0x84: {  	_ =	shalt  }
0x85: {  	_ =	shalt  }
0x86: {  	_ =	shalt  }
0x87: {  	_ =	shalt  }
.Lfunc_end0:
.L_simem_size_0:
called_computation_lowered:
.L_overlay_start_0:
0x88: {  	s2 =	sld [smem:$0x3FD9]  }
0x89: {  	s3 =	sld [smem:$0x3FFE];
	_ =	sdelay $0x1  }
0x8a: {  	s1 =	srdreg.scid  }
0x8b: {  	s0 =	sand.u32 $0x1, s1  }
0x8c: {  	s18 =	sshll.u32 s0, $0xA;
	s2 =	sadd.s32 s3, s2  }
0x8d: {  	s2 =	sadd.s32 s2, s18  }
0x8e: {  	[smem:$0x3FC1] =	sst s2  }
0x8f: {  	_ = 	snop  }
0x90: {  	s2 =	sld [smem:$0x3FC9]  }
0x91: {  	s19 =	sld [smem:$0x3FC8]  }
0x92: {  	s4 =	sld [smem:$0x3FD0];
	(tm) =	ssettm $0x1  }
0x93: {  	s5 =	sld [smem:$0x3FFB];
	_ =	sdelay $0x3  }
0x94: {  	_ =	strace s5  }
0x95: {  	s5 =	sld [smem:$0x3FFC];
	_ =	sdelay $0x3  }
0x96: {  	_ =	strace s5  }
0x97: {  	s5 =	sld [smem:$0x3FFD];
	_ =	sdelay $0x3  }
0x98: {  	_ =	strace s5  }
0x99: {  	_ =	strace $0x8FFFFFFF  }
0x9a: {  	s20 =	sld [smem:$0x3FDB];
	_ =	sdelay $0x1  }
0x9b: {  	s6 =	simm.s32 $_scs_section_size  }
0x9c: {  	s7 =	simm.s32 $_size__tile_overlayer_lowered;
	s8 =	simm.s32 $_tile_overlayer_lowered  }
0x9d: {  	s23 =	simm.s32 $0x1BFF;
	s22 =	sshll.u32 s8, $0x1;
	s5 =	sadd.s32 s6, s20  }
0x9e: {  	s9 =	simm.s32 $0x0;
	s21 =	sshll.u32 s7, $0x1;
	s7 =	sadd.s32 s22, s5  }
0x9f: {  	[timem:s9], [sflag:s23] =	dma.local [hbm:s7], s21  }
0xa0: {  	_ =	swait.ge [sflag:s23], s21  }
0xa1: {  	s6 =	ssub.s32 $0x0, s21;
	[sflag:s23] =	ssyncset.done $0x0  }
0xa2: {  	[sflag:s23] =	ssyncadd.s32 s6;
	_ =	sdelay $0x1  }
0xa3: {  	s24 =	simm.s32 $0x1B8B  }
0xa4: {  	_ =	swait.ge [sflag:s24], $0x1  }
0xa5: {  	[sflag:s24] =	ssyncset.done $0x0  }
0xa6: {  	s25 =	simm.s32 $0x1B8E;
	[sflag:s24] =	ssyncadd.s32 $0xFFFFFFFF  }
0xa7: {  	s26 =	simm.s32 $execute0_lowered;
	[smem:$0x3FD2] =	sst s25  }
0xa8: {  	s6 =	sshll.u32 s26, $0x1;
	_ =	strace $0x80000046;
	[dreg:$0x1] =	wrdreg $0xFFFFFFFF  }
0xa9: {  	s28 =	simm.s32 $_size_execute0_lowered;
	s5 =	sadd.s32 s5, s6;
	[dreg:$0x0] =	wrdreg $0x0  }
0xaa: {  	s6 =	sshll.u32 s28, $0x1;
	[dreg:$0x2] =	wrdreg s5  }
0xab: {  	[dreg:$0x3] =	wrdreg s6  }
0xac: {  	[dreg:$0x4] =	wrdreg $0xC0  }
0xad: {  	_ =	task [dreg:s9], $0x5FFFF  }
0xae: {  	[dreg:$0x1] =	wrdreg $0xFFFFFFFF  }
0xaf: {  	[dreg:$0x0] =	wrdreg $0x60  }
0xb0: {  	[dreg:$0x2] =	wrdreg s19  }
0xb1: {  	[dreg:$0x3] =	wrdreg s2  }
0xb2: {  	[dreg:$0x4] =	wrdreg s4  }
0xb3: {  	[dreg:$0x5] =	wrdreg $0x9  }
0xb4: {  	_ =	task.clear_ibuf [dreg:s9], $0x6FFFF;
	_ =	strace $0x90000046  }
0xb5: {  	s29 =	simm.s32 $0x9;
	_ =	strace $0x80000048  }
0xb6: {  	_ =	swait.ge [sflag:s29], $0x1  }
0xb7: {  	[sflag:s29] =	ssyncadd.s32 $0xFFFFFFFF  }
0xb8: {  	_ =	strace $0x90000048  }
0xb9: {  	_ =	sfence  }
0xba: {  	s30 =	sld [smem:$0x0];
	_ =	sdelay $0x2  }
0xbb: {  	s31 =	sshll.u32 s1, $0xD;
	s1 =	sshrl.u32 s1, $0x2  }
0xbc: {  	s3 =	sand.u32 $0x4000, s31;
	s1 =	sadd.s32 s1, s30  }
0xbd: {  	s0 =	sor.u32 s3, s0;
	s1 =	sshll.u32 s1, $0x11  }
0xbe: {  	s0 =	sor.u32 s1, s0  }
0xbf: {  	s0 =	sadd.s32 $0x8F2B, s0  }
0xc0: {  	[sflag:s0] =	ssyncadd.remote.s32 $0x1  }
0xc1: {  	_ =	sfence.sel $0xFFFF  }
0xc2: {  	[dreg:$0x0] =	wrdreg $0xFFFFFFFF;
	(pc) =	sbr.abs _section_cstart, $3  }
0xc3: {  	[dreg:$0x1] =	wrdreg $0xFFFFFFFF  }
0xc4: {  	_ =	task.clear_ibuf [dreg:s9], $0x2FFFF;
	_ =	strace $0x9FFFFFFF  }
0xc5: {  	(tm) =	ssettm $0x7FFFFFFF  }
tec
execute0_lowered:
.L_overlay_start_1:
0x0: {  	(tag) =	ssettag $0x1  }
0x1: {  	s1 =	rddreg [dreg:$0x0]  }
0x2: {  	s2 =	srdreg.scid;
	s4 =	rddreg [dreg:$0x1]  }
0x3: {  	s0 =	stileid.u32;
	s5 =	rddreg [dreg:$0x2]  }
0x4: {  	s3 =	simm.s32 $0x0;
	s17 =	simm.s32 $0x880;
	s18 =	simm.s32 $0x1080  }
0x5: {  	s19 =	simm.s32 $0x1880;
	s21 =	simm.s32 $0x2080;
	s22 =	simm.s32 $0x2880  }
0x6: {  	s23 =	simm.s32 $0x3080;
	s24 =	simm.s32 $0x3880;
	[smem:$0x7FF] =	sst s3  }
0x7: {  	s8 =	simm.s32 $0x4080;
	_ =	strace $0x80000047;
	[dreg:$0x6] =	wrdreg s17  }
0x8: {  	s25 =	simm.s32 $0x4880;
	s26 =	simm.s32 $0x5080;
	[dreg:$0x7] =	wrdreg s18  }
0x9: {  	s9 =	simm.s32 $0x80;
	s11 =	simm.s32 $0x6080;
	[dreg:$0x8] =	wrdreg s19  }
0xa: {  	s12 =	simm.s32 $0x6880;
	s13 =	simm.s32 $0x7080;
	[dreg:$0x9] =	wrdreg s21  }
0xb: {  	s14 =	simm.s32 $0x7880;
	s15 =	simm.s32 $0x8080;
	[dreg:$0xa] =	wrdreg s22  }
0xc: {  	s28 =	simm.s32 $0xE080;
	s29 =	simm.s32 $0xE880;
	[dreg:$0xb] =	wrdreg s23  }
0xd: {  	s30 =	simm.s32 $0xF080;
	s31 =	simm.s32 $0xF880;
	[dreg:$0xc] =	wrdreg s24  }
0xe: {  	s2 =	sand.u32 $0x1, s2;
	s6 =	sshll.u32 s0, $0x7;
	[dreg:$0xd] =	wrdreg s8  }
0xf: {  	s7 =	sshll.u32 s2, $0x6;
	s2 =	ssub.s32 $0x2, s2;
	[dreg:$0xe] =	wrdreg s25  }
0x10: {  	s8 =	simm.s32 $0x2;
	[dreg:$0xf] =	wrdreg s26;
	s17 =	simm.s32 $0x9080  }
0x11: {  	s18 =	simm.s32 $0x9880;
	s19 =	simm.s32 $0xA080;
	s21 =	simm.s32 $0xB080  }
0x12: {  	s22 =	simm.s32 $0xB880;
	s23 =	simm.s32 $0xC080;
	s24 =	simm.s32 $0xC880  }
0x13: {  	s25 =	simm.s32 $0xD080;
	s26 =	simm.s32 $0xD880;
	s6 =	sor.u32 s7, s6  }
0x14: {  	s20 =	sshrl.u32 s2, $0x1;
	s7 =	sshrl.u32 s6, $0x3;
	s6 =	sshll.u32 s6, $0x7  }
0x15: {  	s2 =	ssub.s32 s2, s20;
	s20 =	simm.s32 $0xA880;
	s4 =	sadd.s32 s4, s7  }
0x16: {  	v2 =	vlaneseq.u32;
	s16 =	sadd.s32 s5, s6;
	s5 =	sadd.s32 $0x200, s1;
	s6 =	sadd.s32 $0x300, s1  }
0x17: {  	vm0 =	vmmov $0xffff;
	v1 =	vshrl.u32 v2, $0x3;
	s7 =	smax.u32 s2, $0x1;
	s2 =	simm.s32 $0x1;
	[dreg:$0x4] =	wrdreg s4  }
0x18: {  	v0 =	vand.u32 $0x7, v2;
	v2 =	vor.u32 $0x8, v2;
	v1 =	vmul.u32 $0x8, v1;
	[dreg:$0x5] =	wrdreg s16;
	s4 =	sadd.s32 $0x100, s1;
	s16 =	simm.s32 $0x8880  }
.LBB2_1:
0x19: {  	s0 =	rddreg [dreg:$0x4]  }
0x1a: {  	[tilespmem:s3], [sflag:$0x2] =	stream.linear.gather [hbm4b:s0+s3], $0x40, $0x38;
	[tilespmem:$0x10080] =	vst v63  }
0x1b: {  	_ =	swait.ge [sflag:s8], $0x40  }
0x1c: {  	[sflag:s8] =	ssyncset.done $0x0  }
0x1d: {  	[sflag:s8] =	ssyncadd.s32 $0xFFFFFFC0  }
0x1e: {  	v3 =	vld [tilespmem:$0x0];
	_ =	sdelay $0x4  }
0x1f: {  	v4 =	vshll.u32 v3, $0x3  }
0x20: {  	v3 =	vand.u32 $0x7, v3;
	v4 =	vand.u32 $0xFFFFFFC0, v4  }
0x21: {  	v3 =	vor.u32 v3, v4  }
0x22: {  	v4 =	vperm.xlane v3, v0;
	_ =	sdelay $0x1  }
0x23: {  	v4 =	vadd.s32 v1, v4;
	_ =	sdelay $0x4  }
0x24: {  	[tilespmem:s9], [sflag:$0x1] =	stream.indirect_vreg.gather [hbm4b:s1+s3], $0x80, v4, vm0, $0xb8;
	[tilespmem:$0x10080] =	vst v63  }
0x25: {  	s0 =	rddreg [dreg:$0x6];
	v3 =	vperm.xlane v3, v2  }
0x26: {  	[tilespmem:s0], [sflag:$0x1] =	stream.indirect_vreg.gather [hbm4b:s4+s3], $0x80, v4, vm0, $0xb8;
	[tilespmem:$0x10080] =	vst v63  }
0x27: {  	s10 =	rddreg [dreg:$0x7];
	v3 =	vadd.s32 v1, v3  }
0x28: {  	[tilespmem:s10], [sflag:$0x1] =	stream.indirect_vreg.gather [hbm4b:s5+s3], $0x80, v4, vm0, $0xb8;
	[tilespmem:$0x10080] =	vst v63  }
0x29: {  	s0 =	rddreg [dreg:$0x8]  }
0x2a: {  	[tilespmem:s0], [sflag:$0x1] =	stream.indirect_vreg.gather [hbm4b:s6+s3], $0x80, v4, vm0, $0xb8;
	[tilespmem:$0x10080] =	vst v63  }
0x2b: {  	s10 =	rddreg [dreg:$0x9]  }
0x2c: {  	[tilespmem:s10], [sflag:$0x1] =	stream.indirect_vreg.gather [hbm4b:s1+s3], $0x80, v3, vm0, $0xb8;
	[tilespmem:$0x10080] =	vst v63  }
0x2d: {  	s0 =	rddreg [dreg:$0xa]  }
0x2e: {  	[tilespmem:s0], [sflag:$0x1] =	stream.indirect_vreg.gather [hbm4b:s4+s3], $0x80, v3, vm0, $0xb8;
	[tilespmem:$0x10080] =	vst v63  }
0x2f: {  	s10 =	rddreg [dreg:$0xb]  }
0x30: {  	[tilespmem:s10], [sflag:$0x1] =	stream.indirect_vreg.gather [hbm4b:s5+s3], $0x80, v3, vm0, $0xb8;
	[tilespmem:$0x10080] =	vst v63  }
0x31: {  	s0 =	rddreg [dreg:$0xc]  }
0x32: {  	[tilespmem:s0], [sflag:$0x1] =	stream.indirect_vreg.gather [hbm4b:s6+s3], $0x80, v3, vm0, $0xb8;
	[tilespmem:$0x10080] =	vst v63  }
0x33: {  	v3 =	vld [tilespmem:$0x10];
	_ =	sdelay $0x4  }
0x34: {  	v61 =	vshll.u32 v3, $0x3  }
0x35: {  	v3 =	vand.u32 $0x7, v3;
	v4 =	vand.u32 $0xFFFFFFC0, v61  }
0x36: {  	v3 =	vor.u32 v3, v4  }
0x37: {  	v4 =	vperm.xlane v3, v0;
	_ =	sdelay $0x1  }
0x38: {  	v4 =	vadd.s32 v1, v4;
	_ =	sdelay $0x3  }
0x39: {  	s0 =	rddreg [dreg:$0xd]  }
0x3a: {  	[tilespmem:s0], [sflag:$0x1] =	stream.indirect_vreg.gather [hbm4b:s1+s3], $0x80, v4, vm0, $0xb8;
	[tilespmem:$0x10080] =	vst v63  }
0x3b: {  	s10 =	rddreg [dreg:$0xe];
	v3 =	vperm.xlane v3, v2  }
0x3c: {  	[tilespmem:s10], [sflag:$0x1] =	stream.indirect_vreg.gather [hbm4b:s4+s3], $0x80, v4, vm0, $0xb8;
	[tilespmem:$0x10080] =	vst v63  }
0x3d: {  	v3 =	vadd.s32 v1, v3;
	s0 =	rddreg [dreg:$0xf]  }
0x3e: {  	[tilespmem:s0], [sflag:$0x1] =	stream.indirect_vreg.gather [hbm4b:s5+s3], $0x80, v4, vm0, $0xb8;
	[tilespmem:$0x10080] =	vst v63  }
0x3f: {  	s10 =	simm.s32 $0x5880  }
0x40: {  	[tilespmem:s10], [sflag:$0x1] =	stream.indirect_vreg.gather [hbm4b:s6+s3], $0x80, v4, vm0, $0xb8;
	[tilespmem:$0x10080] =	vst v63  }
0x41: {  	_ = 	snop  }
0x42: {  	[tilespmem:s11], [sflag:$0x1] =	stream.indirect_vreg.gather [hbm4b:s1+s3], $0x80, v3, vm0, $0xb8;
	[tilespmem:$0x10080] =	vst v63  }
0x43: {  	_ = 	snop  }
0x44: {  	[tilespmem:s12], [sflag:$0x1] =	stream.indirect_vreg.gather [hbm4b:s4+s3], $0x80, v3, vm0, $0xb8;
	[tilespmem:$0x10080] =	vst v63  }
0x45: {  	_ = 	snop  }
0x46: {  	[tilespmem:s13], [sflag:$0x1] =	stream.indirect_vreg.gather [hbm4b:s5+s3], $0x80, v3, vm0, $0xb8;
	[tilespmem:$0x10080] =	vst v63  }
0x47: {  	_ = 	snop  }
0x48: {  	[tilespmem:s14], [sflag:$0x1] =	stream.indirect_vreg.gather [hbm4b:s6+s3], $0x80, v3, vm0, $0xb8;
	[tilespmem:$0x10080] =	vst v63  }
0x49: {  	v3 =	vld [tilespmem:$0x20];
	_ =	sdelay $0x4  }
0x4a: {  	v62 =	vshll.u32 v3, $0x3  }
0x4b: {  	v3 =	vand.u32 $0x7, v3;
	v4 =	vand.u32 $0xFFFFFFC0, v62  }
0x4c: {  	v3 =	vor.u32 v3, v4  }
0x4d: {  	v4 =	vperm.xlane v3, v0;
	_ =	sdelay $0x1  }
0x4e: {  	v4 =	vadd.s32 v1, v4;
	_ =	sdelay $0x4  }
0x4f: {  	[tilespmem:s15], [sflag:$0x1] =	stream.indirect_vreg.gather [hbm4b:s1+s3], $0x80, v4, vm0, $0xb8;
	[tilespmem:$0x10080] =	vst v63  }
0x50: {  	v3 =	vperm.xlane v3, v2  }
0x51: {  	[tilespmem:s16], [sflag:$0x1] =	stream.indirect_vreg.gather [hbm4b:s4+s3], $0x80, v4, vm0, $0xb8;
	[tilespmem:$0x10080] =	vst v63  }
0x52: {  	v3 =	vadd.s32 v1, v3  }
0x53: {  	[tilespmem:s17], [sflag:$0x1] =	stream.indirect_vreg.gather [hbm4b:s5+s3], $0x80, v4, vm0, $0xb8;
	[tilespmem:$0x10080] =	vst v63  }
0x54: {  	_ = 	snop  }
0x55: {  	[tilespmem:s18], [sflag:$0x1] =	stream.indirect_vreg.gather [hbm4b:s6+s3], $0x80, v4, vm0, $0xb8;
	[tilespmem:$0x10080] =	vst v63  }
0x56: {  	_ = 	snop  }
0x57: {  	[tilespmem:s19], [sflag:$0x1] =	stream.indirect_vreg.gather [hbm4b:s1+s3], $0x80, v3, vm0, $0xb8;
	[tilespmem:$0x10080] =	vst v63  }
0x58: {  	_ = 	snop  }
0x59: {  	[tilespmem:s20], [sflag:$0x1] =	stream.indirect_vreg.gather [hbm4b:s4+s3], $0x80, v3, vm0, $0xb8;
	[tilespmem:$0x10080] =	vst v63  }
0x5a: {  	_ = 	snop  }
0x5b: {  	[tilespmem:s21], [sflag:$0x1] =	stream.indirect_vreg.gather [hbm4b:s5+s3], $0x80, v3, vm0, $0xb8;
	[tilespmem:$0x10080] =	vst v63  }
0x5c: {  	_ = 	snop  }
0x5d: {  	[tilespmem:s22], [sflag:$0x1] =	stream.indirect_vreg.gather [hbm4b:s6+s3], $0x80, v3, vm0, $0xb8;
	[tilespmem:$0x10080] =	vst v63  }
0x5e: {  	v3 =	vld [tilespmem:$0x30];
	_ =	sdelay $0x4  }
0x5f: {  	v63 =	vshll.u32 v3, $0x3  }
0x60: {  	v3 =	vand.u32 $0x7, v3;
	v4 =	vand.u32 $0xFFFFFFC0, v63  }
0x61: {  	v3 =	vor.u32 v3, v4  }
0x62: {  	v4 =	vperm.xlane v3, v0;
	_ =	sdelay $0x1  }
0x63: {  	v4 =	vadd.s32 v1, v4;
	_ =	sdelay $0x4  }
0x64: {  	[tilespmem:s23], [sflag:$0x1] =	stream.indirect_vreg.gather [hbm4b:s1+s3], $0x80, v4, vm0, $0xb8;
	[tilespmem:$0x10080] =	vst v63  }
0x65: {  	v3 =	vperm.xlane v3, v2  }
0x66: {  	[tilespmem:s24], [sflag:$0x1] =	stream.indirect_vreg.gather [hbm4b:s4+s3], $0x80, v4, vm0, $0xb8;
	[tilespmem:$0x10080] =	vst v63  }
0x67: {  	v3 =	vadd.s32 v1, v3  }
0x68: {  	[tilespmem:s25], [sflag:$0x1] =	stream.indirect_vreg.gather [hbm4b:s5+s3], $0x80, v4, vm0, $0xb8;
	[tilespmem:$0x10080] =	vst v63  }
0x69: {  	_ = 	snop  }
0x6a: {  	[tilespmem:s26], [sflag:$0x1] =	stream.indirect_vreg.gather [hbm4b:s6+s3], $0x80, v4, vm0, $0xb8;
	[tilespmem:$0x10080] =	vst v63  }
0x6b: {  	_ = 	snop  }
0x6c: {  	[tilespmem:s28], [sflag:$0x1] =	stream.indirect_vreg.gather [hbm4b:s1+s3], $0x80, v3, vm0, $0xb8;
	[tilespmem:$0x10080] =	vst v63  }
0x6d: {  	_ = 	snop  }
0x6e: {  	[tilespmem:s29], [sflag:$0x1] =	stream.indirect_vreg.gather [hbm4b:s4+s3], $0x80, v3, vm0, $0xb8;
	[tilespmem:$0x10080] =	vst v63  }
0x6f: {  	_ = 	snop  }
0x70: {  	[tilespmem:s30], [sflag:$0x1] =	stream.indirect_vreg.gather [hbm4b:s5+s3], $0x80, v3, vm0, $0xb8;
	[tilespmem:$0x10080] =	vst v63  }
0x71: {  	_ = 	snop  }
0x72: {  	[tilespmem:s31], [sflag:$0x1] =	stream.indirect_vreg.gather [hbm4b:s6+s3], $0x80, v3, vm0, $0xb8;
	[tilespmem:$0x10080] =	vst v63  }
0x73: {  	_ =	swait.ge [sflag:s2], $0x10000  }
0x74: {  	p0 =	sne.s32 s7, $0x1;
	[sflag:s2] =	ssyncset.done $0x0  }
.Ltmp0:
0x75: {  	s10 =	rddreg [dreg:$0x5];
	[sflag:s2] =	ssyncadd.s32 $0xFFFF0000;
	(pc) =	sbr.rel @p0 .LBB2_1-.Ltmp0, $4  }
0x76: {  	[hbm4b:s10+s3] =	stream.linear.scatter [tilespmem:s9], [sflag:$0x2], $0x10000, $0x38;
	[tilespmem:$0x10080] =	vst v63  }
0x77: {  	_ =	swait.ge [sflag:s8], $0x10000  }
0x78: {  	[sflag:s8] =	ssyncset.done $0x0  }
0x79: {  	s7 =	sadd.s32 $0xFFFFFFFF, s7;
	[sflag:s8] =	ssyncadd.s32 $0xFFFF0000  }
0x7a: {  	_ =	sfence.sel $0x180000  }
0x7b: {  	[bflag:$0x0] =	sbarrier.arrive $0xFFFF  }
0x7c: {  	_ =	strace $0x90000047  }
0x7d: {  	s0 =	stileid.u32;
	[bflag:$0x2] =	sbarrier.arrive $0xFFFF  }
0x7e: {  	p0 =	sne.s32 s0, $0x0;
	s0 =	rddreg [dreg:$0x3]  }
0x7f: {  	s0 =	sadd.s32 @!p0 $0x100000, s0  }
0x80: {  	[sflag:s0] =	ssyncadd.tile.s32 @!p0 $0x1;
	_ =	shalt  }
.Lfunc_end2:
_tile_overlayer_lowered:
.L_overlay_start_2:
0x81: {  	(tag) =	ssettag $0x2  }
0x82: {  	s0 =	rddreg [dreg:$0x0];
	s2 =	stileid.u32  }
0x83: {  	s1 =	rddreg [dreg:$0x1];
	p0 =	sne.s32 s2, $0x0  }
0x84: {  	s3 =	rddreg [dreg:$0x2];
	[bflag:$0x3] =	sbarrier.arrive $0xFFFF;
	s2 =	simm.s32 @!p0 $0x1C02  }
0x85: {  	[timem:s3], [sflag:s2] =	dma.local @!p0 [hbm:s0], s1  }
0x86: {  	s0 =	simm.s32 @!p0 $0x2  }
0x87: {  	_ =	swait.ge @!p0 [sflag:s0], s1  }
0x88: {  	s1 =	ssub.s32 @!p0 $0x0, s1;
	[sflag:s0] =	ssyncset.done @!p0 $0x0  }
0x89: {  	[sflag:s0] =	ssyncadd.s32 @!p0 s1  }
0x8a: {  	[bflag:$0x3] =	sbarrier.arrive $0xFFFF  }
0x8b: {  	_ =	shalt  }

</sc_bundles>
